<compile_context>
chip_gen: v7x
topology: tpu7x:2x2x1
jax: 0.10.2.dev20260603
libtpu: 0.0.44.dev20260713+nightly
codegen_flags: <defaults>
</compile_context>

<pallas_src>
import functools

import jax
import jax.numpy as jnp
from jax import lax
from jax.experimental import pallas as pl
from jax.experimental.pallas import tpu as pltpu
from jax.experimental.pallas import tpu_sc as plsc

_K = 8192
_D = 64
_N = 16384
_R = 2048
_C = 1024
_BETA = 0.25
_DP = 128


def _argmin_body(z2_ref, z_ref, e_ref, e2_ref, idx_ref):
    z = z_ref[...]
    z2 = z2_ref[...]
    best_val = jnp.full((_R, 1), jnp.inf, jnp.float32)
    best_idx = jnp.zeros((_R, 1), jnp.int32)
    for c in range(_K // _C):
        e = e_ref[pl.ds(c * _C, _C), :]
        m = lax.dot_general(z, e, (((1,), (1,)), ((), ())),
                            preferred_element_type=jnp.float32)
        dist = (z2 - 2.0 * m) + e2_ref[0:1, pl.ds(c * _C, _C)]
        dmin = jnp.min(dist, axis=1, keepdims=True)
        kio = lax.broadcasted_iota(jnp.int32, (_R, _C), 1)
        cand = jnp.min(jnp.where(dist == dmin, kio, jnp.int32(2**30)),
                       axis=1, keepdims=True) + c * _C
        better = dmin < best_val
        best_idx = jnp.where(better, cand, best_idx)
        best_val = jnp.where(better, dmin, best_val)
    idx_ref[...] = jnp.broadcast_to(best_idx, (_R, 8))


_argmin_call = pl.pallas_call(
    _argmin_body,
    grid=(_N // _R,),
    in_specs=[
        pl.BlockSpec((_R, 1), lambda i: (i, 0)),
        pl.BlockSpec((_R, _DP), lambda i: (i, 0)),
        pl.BlockSpec((_K, _DP), lambda i: (0, 0)),
        pl.BlockSpec((8, _K), lambda i: (0, 0)),
    ],
    out_specs=pl.BlockSpec((_R, 8), lambda i: (i, 0)),
    out_shape=jax.ShapeDtypeStruct((_N, 8), jnp.int32),
)

_NC = 2
_NS = 16
_NW = _NC * _NS
_BPW = _N // _NW
_GW = 128
_GCH = _BPW // _GW


def _gather_body(table_hbm, idx_hbm, out_hbm, idx_v, rows_v, sem):
    wid = lax.axis_index("s") * _NC + lax.axis_index("c")
    pltpu.sync_copy(idx_hbm.at[wid], idx_v)
    copies = [
        pltpu.async_copy(table_hbm.at[idx_v.at[c]],
                         rows_v.at[pl.ds(c * _GW, _GW)], sem)
        for c in range(_GCH)
    ]
    for cp in copies:
        cp.wait()
    pltpu.sync_copy(rows_v, out_hbm.at[pl.ds(wid * _BPW, _BPW)])


@functools.lru_cache(maxsize=None)
def _gather_call():
    return pl.kernel(
        _gather_body,
        out_type=jax.ShapeDtypeStruct((_N, _DP), jnp.float32),
        mesh=plsc.VectorSubcoreMesh(core_axis_name="c", subcore_axis_name="s",
                                    num_cores=_NC, num_subcores=_NS),
        scratch_types=[
            pltpu.VMEM((_GCH, _GW), jnp.int32),
            pltpu.VMEM((_BPW, _DP), jnp.float32),
            pltpu.SemaphoreType.DMA,
        ],
    )


def _final_body(z_ref, q_ref, st_ref, loss_ref):
    d = q_ref[:, : _D] - z_ref[...]
    st_ref[...] = z_ref[...] + d
    loss_ref[0, 0] = (1.0 + _BETA) * (jnp.sum(d * d) / jnp.float32(_N * _D))


_final_call = pl.pallas_call(
    _final_body,
    grid=(1,),
    in_specs=[
        pl.BlockSpec((_N, _D), lambda i: (0, 0)),
        pl.BlockSpec((_N, _DP), lambda i: (0, 0)),
    ],
    out_specs=[
        pl.BlockSpec((_N, _D), lambda i: (0, 0)),
        pl.BlockSpec(memory_space=pltpu.SMEM),
    ],
    out_shape=[
        jax.ShapeDtypeStruct((_N, _D), jnp.float32),
        jax.ShapeDtypeStruct((1, 1), jnp.float32),
    ],
)


def kernel(z_e, embeddings):
    B, Dd, H, W = z_e.shape
    z_flat = jnp.transpose(z_e, (0, 2, 3, 1)).reshape(-1, Dd)
    z2 = jnp.sum(z_flat ** 2, axis=1, keepdims=True)
    e2 = jnp.broadcast_to(jnp.sum(embeddings ** 2, axis=1)[None, :], (8, _K))
    z_pad = jnp.pad(z_flat, ((0, 0), (0, _DP - _D)))
    table_pad = jnp.pad(embeddings, ((0, 0), (0, _DP - _D)))
    idx = _argmin_call(z2, z_pad, table_pad, e2)[:, 0]
    z_q_pad = _gather_call()(table_pad, idx.reshape(_NW, _GCH, _GW))
    z_st_flat, loss = _final_call(z_flat, z_q_pad)
    z_q_st = jnp.transpose(z_st_flat.reshape(B, H, W, Dd), (0, 3, 1, 2))
    return z_q_st, loss[0, 0]

# --- scband reference (transcript-rebuilt; emitter-appended) ---
"""Pipeline reference for scband-vector-quantizer-15135464751482 (READ-ONLY COPY).

The authoritative reference and input builder live on the scoring server;
editing this copy changes nothing except your own understanding.
"""

import jax, jax.numpy as jnp
import numpy as np

K = 8192
D = 64
BETA = 0.25

def setup_inputs(seed: int = 0) -> dict:
    key = jax.random.key(seed)
    k1, k2 = jax.random.split(key)
    z_e = jax.random.normal(k1, (16, 64, 32, 32), dtype=jnp.float32)
    embeddings = jax.random.uniform(k2, (K, D), dtype=jnp.float32, minval=-1.0 / K, maxval=1.0 / K)
    return {"z_e": z_e, "embeddings": embeddings}

def reference(z_e, embeddings):
    B, Dd, H, W = z_e.shape
    z_e_flat = jnp.transpose(z_e, (0, 2, 3, 1)).reshape(-1, Dd)
    dist = (jnp.sum(z_e_flat ** 2, axis=1, keepdims=True)
            - 2.0 * z_e_flat @ embeddings.T
            + jnp.sum(embeddings ** 2, axis=1))
    idx = jnp.argmin(dist, axis=1)
    z_q = jnp.take(embeddings, idx, axis=0).reshape(B, H, W, Dd)
    z_q = jnp.transpose(z_q, (0, 3, 1, 2))
    loss_codebook = jnp.mean((jax.lax.stop_gradient(z_q) - z_e) ** 2)
    loss_commit = jnp.mean((z_q - jax.lax.stop_gradient(z_e)) ** 2)
    vq_loss = loss_commit + BETA * loss_codebook
    z_q_st = z_e + jax.lax.stop_gradient(z_q - z_e)
    return (z_q_st, vq_loss)

if __name__ == "__main__":
    import jax
    _d = setup_inputs()
    print(jax.jit(kernel)(*tuple(_d.values())))

</pallas_src>

<mosaic_0001>
#map = affine_map<(d0, d1) -> (0, 0)>
#map1 = affine_map<(d0, d1) -> (0, 0, 0)>
module attributes {stable_mosaic.version = 14 : i64} {
  func.func @_gather_body(%arg0: i32, %arg1: i32, %arg2: memref<8192x128xf32, #tpu.memory_space<hbm>>, %arg3: memref<32x4x128xi32, #tpu.memory_space<hbm>>, %arg4: memref<16384x128xf32, #tpu.memory_space<hbm>>, %arg5: memref<4x128xi32, #tpu.memory_space<vmem>>, %arg6: memref<512x128xf32, #tpu.memory_space<vmem>>, %arg7: memref<!tpu.dma_semaphore, #tpu.memory_space<semaphore_mem>>) attributes {dimension_semantics = [#tpu.dimension_semantics<core_parallel>, #tpu.dimension_semantics<subcore_parallel>], iteration_bounds = array<i64: 2, 16>, scalar_prefetch = 0 : i64, scratch_operands = 3 : i64, tpu.core_type = #tpu.core_type<sc_vector_subcore>, window_params = [{transform_indices = #map}, {transform_indices = #map1}, {transform_indices = #map}]} {
    %mul3A = arith.constant 2 : i32
    %mul3A_0 = arith.muli %arg1, %mul3A : i32
    %add3A = arith.addi %mul3A_0, %arg0 : i32
    "tpu.region"() ({
      %run_scoped3A = tpu.sem_alloc : memref<!tpu.dma_semaphore, #tpu.memory_space<semaphore_mem>>
      %dma_start3A_81 = arith.constant 0 : i32
      %dma_start3A_82 = arith.constant 0 : i32
      %dma_start3A_83 = tpu.memref_slice %arg3[%add3A, %dma_start3A_81, %dma_start3A_82] : memref<32x4x128xi32, #tpu.memory_space<hbm>> -> memref<1x4x128xi32, #tpu.memory_space<hbm>>
      %dma_start3A_84 = tpu.memref_squeeze %dma_start3A_83 : memref<1x4x128xi32, #tpu.memory_space<hbm>> -> memref<4x128xi32, #tpu.memory_space<hbm>>
      %dma_start3A_85 = arith.constant 0 : i32
      %dma_start3A_86 = arith.constant 0 : i32
      %dma_start3A_87 = tpu.memref_slice %arg3[%add3A, %dma_start3A_85, %dma_start3A_86] : memref<32x4x128xi32, #tpu.memory_space<hbm>> -> memref<1x4x128xi32, #tpu.memory_space<hbm>>
      %dma_start3A_88 = tpu.memref_squeeze %dma_start3A_87 : memref<1x4x128xi32, #tpu.memory_space<hbm>> -> memref<4x128xi32, #tpu.memory_space<hbm>>
      tpu.enqueue_dma source(%dma_start3A_88 : memref<4x128xi32, #tpu.memory_space<hbm>>) target(%arg5 : memref<4x128xi32, #tpu.memory_space<vmem>>) target_semaphore(%run_scoped3A : memref<!tpu.dma_semaphore, #tpu.memory_space<semaphore_mem>>)
      %dma_wait3A_89 = arith.constant 0 : i32
      %dma_wait3A_90 = arith.constant 0 : i32
      %dma_wait3A_91 = tpu.memref_slice %arg3[%add3A, %dma_wait3A_89, %dma_wait3A_90] : memref<32x4x128xi32, #tpu.memory_space<hbm>> -> memref<1x4x128xi32, #tpu.memory_space<hbm>>
      %dma_wait3A_92 = tpu.memref_squeeze %dma_wait3A_91 : memref<1x4x128xi32, #tpu.memory_space<hbm>> -> memref<4x128xi32, #tpu.memory_space<hbm>>
      %dma_wait3A_93 = arith.constant 0 : i32
      %dma_wait3A_94 = arith.constant 0 : i32
      %dma_wait3A_95 = tpu.memref_slice %arg3[%add3A, %dma_wait3A_93, %dma_wait3A_94] : memref<32x4x128xi32, #tpu.memory_space<hbm>> -> memref<1x4x128xi32, #tpu.memory_space<hbm>>
      %dma_wait3A_96 = tpu.memref_squeeze %dma_wait3A_95 : memref<1x4x128xi32, #tpu.memory_space<hbm>> -> memref<4x128xi32, #tpu.memory_space<hbm>>
      tpu.wait_dma2 semaphore(%run_scoped3A : memref<!tpu.dma_semaphore, #tpu.memory_space<semaphore_mem>>) src(%dma_wait3A_96 : memref<4x128xi32, #tpu.memory_space<hbm>>) dst(%arg5 : memref<4x128xi32, #tpu.memory_space<vmem>>)
      tpu.yield
    }) : () -> ()
    %dma_start3A = arith.constant 0 : i32
    %dma_start3A_1 = arith.constant 0 : i32
    %dma_start3A_2 = arith.constant 0 : i32
    %dma_start3A_3 = tpu.memref_slice %arg6[%dma_start3A_1, %dma_start3A_2] : memref<512x128xf32, #tpu.memory_space<vmem>> -> memref<128x128xf32, #tpu.memory_space<vmem>>
    %dma_start3A_4 = arith.constant 0 : i32
    %dma_start3A_5 = tpu.memref_slice %arg5[%dma_start3A, %dma_start3A_4] : memref<4x128xi32, #tpu.memory_space<vmem>> -> memref<1x128xi32, #tpu.memory_space<vmem>>
    %dma_start3A_6 = tpu.memref_squeeze %dma_start3A_5 : memref<1x128xi32, #tpu.memory_space<vmem>> -> memref<128xi32, #tpu.memory_space<vmem>>
    %dma_start3A_7 = arith.constant 0 : i32
    %dma_start3A_8 = arith.constant 0 : i32
    %dma_start3A_9 = tpu.memref_slice %arg2[%dma_start3A_7, %dma_start3A_8] : memref<8192x128xf32, #tpu.memory_space<hbm>> -> memref<8192x128xf32, #tpu.memory_space<hbm>>
    tpu.enqueue_indirect_dma source(%dma_start3A_9 : memref<8192x128xf32, #tpu.memory_space<hbm>>) target(%dma_start3A_3 : memref<128x128xf32, #tpu.memory_space<vmem>>) offsets(%dma_start3A_6 : memref<128xi32, #tpu.memory_space<vmem>>) semaphore(%arg7 : memref<!tpu.dma_semaphore, #tpu.memory_space<semaphore_mem>>)
    %dma_start3A_10 = arith.constant 1 : i32
    %dma_start3A_11 = arith.constant 128 : i32
    %dma_start3A_12 = arith.constant 0 : i32
    %dma_start3A_13 = tpu.memref_slice %arg6[%dma_start3A_11, %dma_start3A_12] : memref<512x128xf32, #tpu.memory_space<vmem>> -> memref<128x128xf32, #tpu.memory_space<vmem>>
    %dma_start3A_14 = arith.constant 0 : i32
    %dma_start3A_15 = tpu.memref_slice %arg5[%dma_start3A_10, %dma_start3A_14] : memref<4x128xi32, #tpu.memory_space<vmem>> -> memref<1x128xi32, #tpu.memory_space<vmem>>
    %dma_start3A_16 = tpu.memref_squeeze %dma_start3A_15 : memref<1x128xi32, #tpu.memory_space<vmem>> -> memref<128xi32, #tpu.memory_space<vmem>>
    %dma_start3A_17 = arith.constant 0 : i32
    %dma_start3A_18 = arith.constant 0 : i32
    %dma_start3A_19 = tpu.memref_slice %arg2[%dma_start3A_17, %dma_start3A_18] : memref<8192x128xf32, #tpu.memory_space<hbm>> -> memref<8192x128xf32, #tpu.memory_space<hbm>>
    tpu.enqueue_indirect_dma source(%dma_start3A_19 : memref<8192x128xf32, #tpu.memory_space<hbm>>) target(%dma_start3A_13 : memref<128x128xf32, #tpu.memory_space<vmem>>) offsets(%dma_start3A_16 : memref<128xi32, #tpu.memory_space<vmem>>) semaphore(%arg7 : memref<!tpu.dma_semaphore, #tpu.memory_space<semaphore_mem>>)
    %dma_start3A_20 = arith.constant 2 : i32
    %dma_start3A_21 = arith.constant 256 : i32
    %dma_start3A_22 = arith.constant 0 : i32
    %dma_start3A_23 = tpu.memref_slice %arg6[%dma_start3A_21, %dma_start3A_22] : memref<512x128xf32, #tpu.memory_space<vmem>> -> memref<128x128xf32, #tpu.memory_space<vmem>>
    %dma_start3A_24 = arith.constant 0 : i32
    %dma_start3A_25 = tpu.memref_slice %arg5[%dma_start3A_20, %dma_start3A_24] : memref<4x128xi32, #tpu.memory_space<vmem>> -> memref<1x128xi32, #tpu.memory_space<vmem>>
    %dma_start3A_26 = tpu.memref_squeeze %dma_start3A_25 : memref<1x128xi32, #tpu.memory_space<vmem>> -> memref<128xi32, #tpu.memory_space<vmem>>
    %dma_start3A_27 = arith.constant 0 : i32
    %dma_start3A_28 = arith.constant 0 : i32
    %dma_start3A_29 = tpu.memref_slice %arg2[%dma_start3A_27, %dma_start3A_28] : memref<8192x128xf32, #tpu.memory_space<hbm>> -> memref<8192x128xf32, #tpu.memory_space<hbm>>
    tpu.enqueue_indirect_dma source(%dma_start3A_29 : memref<8192x128xf32, #tpu.memory_space<hbm>>) target(%dma_start3A_23 : memref<128x128xf32, #tpu.memory_space<vmem>>) offsets(%dma_start3A_26 : memref<128xi32, #tpu.memory_space<vmem>>) semaphore(%arg7 : memref<!tpu.dma_semaphore, #tpu.memory_space<semaphore_mem>>)
    %dma_start3A_30 = arith.constant 3 : i32
    %dma_start3A_31 = arith.constant 384 : i32
    %dma_start3A_32 = arith.constant 0 : i32
    %dma_start3A_33 = tpu.memref_slice %arg6[%dma_start3A_31, %dma_start3A_32] : memref<512x128xf32, #tpu.memory_space<vmem>> -> memref<128x128xf32, #tpu.memory_space<vmem>>
    %dma_start3A_34 = arith.constant 0 : i32
    %dma_start3A_35 = tpu.memref_slice %arg5[%dma_start3A_30, %dma_start3A_34] : memref<4x128xi32, #tpu.memory_space<vmem>> -> memref<1x128xi32, #tpu.memory_space<vmem>>
    %dma_start3A_36 = tpu.memref_squeeze %dma_start3A_35 : memref<1x128xi32, #tpu.memory_space<vmem>> -> memref<128xi32, #tpu.memory_space<vmem>>
    %dma_start3A_37 = arith.constant 0 : i32
    %dma_start3A_38 = arith.constant 0 : i32
    %dma_start3A_39 = tpu.memref_slice %arg2[%dma_start3A_37, %dma_start3A_38] : memref<8192x128xf32, #tpu.memory_space<hbm>> -> memref<8192x128xf32, #tpu.memory_space<hbm>>
    tpu.enqueue_indirect_dma source(%dma_start3A_39 : memref<8192x128xf32, #tpu.memory_space<hbm>>) target(%dma_start3A_33 : memref<128x128xf32, #tpu.memory_space<vmem>>) offsets(%dma_start3A_36 : memref<128xi32, #tpu.memory_space<vmem>>) semaphore(%arg7 : memref<!tpu.dma_semaphore, #tpu.memory_space<semaphore_mem>>)
    %dma_wait3A = arith.constant 0 : i32
    %dma_wait3A_40 = arith.constant 0 : i32
    %dma_wait3A_41 = arith.constant 0 : i32
    %dma_wait3A_42 = tpu.memref_slice %arg6[%dma_wait3A_40, %dma_wait3A_41] : memref<512x128xf32, #tpu.memory_space<vmem>> -> memref<128x128xf32, #tpu.memory_space<vmem>>
    %dma_wait3A_43 = arith.constant 0 : i32
    %dma_wait3A_44 = tpu.memref_slice %arg5[%dma_wait3A, %dma_wait3A_43] : memref<4x128xi32, #tpu.memory_space<vmem>> -> memref<1x128xi32, #tpu.memory_space<vmem>>
    %dma_wait3A_45 = tpu.memref_squeeze %dma_wait3A_44 : memref<1x128xi32, #tpu.memory_space<vmem>> -> memref<128xi32, #tpu.memory_space<vmem>>
    %dma_wait3A_46 = arith.constant 0 : i32
    %dma_wait3A_47 = arith.constant 0 : i32
    %dma_wait3A_48 = tpu.memref_slice %arg2[%dma_wait3A_46, %dma_wait3A_47] : memref<8192x128xf32, #tpu.memory_space<hbm>> -> memref<8192x128xf32, #tpu.memory_space<hbm>>
    tpu.wait_indirect_dma semaphore(%arg7 : memref<!tpu.dma_semaphore, #tpu.memory_space<semaphore_mem>>) src(%dma_wait3A_48 : memref<8192x128xf32, #tpu.memory_space<hbm>>) dst(%dma_wait3A_42 : memref<128x128xf32, #tpu.memory_space<vmem>>)
    %dma_wait3A_49 = arith.constant 1 : i32
    %dma_wait3A_50 = arith.constant 128 : i32
    %dma_wait3A_51 = arith.constant 0 : i32
    %dma_wait3A_52 = tpu.memref_slice %arg6[%dma_wait3A_50, %dma_wait3A_51] : memref<512x128xf32, #tpu.memory_space<vmem>> -> memref<128x128xf32, #tpu.memory_space<vmem>>
    %dma_wait3A_53 = arith.constant 0 : i32
    %dma_wait3A_54 = tpu.memref_slice %arg5[%dma_wait3A_49, %dma_wait3A_53] : memref<4x128xi32, #tpu.memory_space<vmem>> -> memref<1x128xi32, #tpu.memory_space<vmem>>
    %dma_wait3A_55 = tpu.memref_squeeze %dma_wait3A_54 : memref<1x128xi32, #tpu.memory_space<vmem>> -> memref<128xi32, #tpu.memory_space<vmem>>
    %dma_wait3A_56 = arith.constant 0 : i32
    %dma_wait3A_57 = arith.constant 0 : i32
    %dma_wait3A_58 = tpu.memref_slice %arg2[%dma_wait3A_56, %dma_wait3A_57] : memref<8192x128xf32, #tpu.memory_space<hbm>> -> memref<8192x128xf32, #tpu.memory_space<hbm>>
    tpu.wait_indirect_dma semaphore(%arg7 : memref<!tpu.dma_semaphore, #tpu.memory_space<semaphore_mem>>) src(%dma_wait3A_58 : memref<8192x128xf32, #tpu.memory_space<hbm>>) dst(%dma_wait3A_52 : memref<128x128xf32, #tpu.memory_space<vmem>>)
    %dma_wait3A_59 = arith.constant 2 : i32
    %dma_wait3A_60 = arith.constant 256 : i32
    %dma_wait3A_61 = arith.constant 0 : i32
    %dma_wait3A_62 = tpu.memref_slice %arg6[%dma_wait3A_60, %dma_wait3A_61] : memref<512x128xf32, #tpu.memory_space<vmem>> -> memref<128x128xf32, #tpu.memory_space<vmem>>
    %dma_wait3A_63 = arith.constant 0 : i32
    %dma_wait3A_64 = tpu.memref_slice %arg5[%dma_wait3A_59, %dma_wait3A_63] : memref<4x128xi32, #tpu.memory_space<vmem>> -> memref<1x128xi32, #tpu.memory_space<vmem>>
    %dma_wait3A_65 = tpu.memref_squeeze %dma_wait3A_64 : memref<1x128xi32, #tpu.memory_space<vmem>> -> memref<128xi32, #tpu.memory_space<vmem>>
    %dma_wait3A_66 = arith.constant 0 : i32
    %dma_wait3A_67 = arith.constant 0 : i32
    %dma_wait3A_68 = tpu.memref_slice %arg2[%dma_wait3A_66, %dma_wait3A_67] : memref<8192x128xf32, #tpu.memory_space<hbm>> -> memref<8192x128xf32, #tpu.memory_space<hbm>>
    tpu.wait_indirect_dma semaphore(%arg7 : memref<!tpu.dma_semaphore, #tpu.memory_space<semaphore_mem>>) src(%dma_wait3A_68 : memref<8192x128xf32, #tpu.memory_space<hbm>>) dst(%dma_wait3A_62 : memref<128x128xf32, #tpu.memory_space<vmem>>)
    %dma_wait3A_69 = arith.constant 3 : i32
    %dma_wait3A_70 = arith.constant 384 : i32
    %dma_wait3A_71 = arith.constant 0 : i32
    %dma_wait3A_72 = tpu.memref_slice %arg6[%dma_wait3A_70, %dma_wait3A_71] : memref<512x128xf32, #tpu.memory_space<vmem>> -> memref<128x128xf32, #tpu.memory_space<vmem>>
    %dma_wait3A_73 = arith.constant 0 : i32
    %dma_wait3A_74 = tpu.memref_slice %arg5[%dma_wait3A_69, %dma_wait3A_73] : memref<4x128xi32, #tpu.memory_space<vmem>> -> memref<1x128xi32, #tpu.memory_space<vmem>>
    %dma_wait3A_75 = tpu.memref_squeeze %dma_wait3A_74 : memref<1x128xi32, #tpu.memory_space<vmem>> -> memref<128xi32, #tpu.memory_space<vmem>>
    %dma_wait3A_76 = arith.constant 0 : i32
    %dma_wait3A_77 = arith.constant 0 : i32
    %dma_wait3A_78 = tpu.memref_slice %arg2[%dma_wait3A_76, %dma_wait3A_77] : memref<8192x128xf32, #tpu.memory_space<hbm>> -> memref<8192x128xf32, #tpu.memory_space<hbm>>
    tpu.wait_indirect_dma semaphore(%arg7 : memref<!tpu.dma_semaphore, #tpu.memory_space<semaphore_mem>>) src(%dma_wait3A_78 : memref<8192x128xf32, #tpu.memory_space<hbm>>) dst(%dma_wait3A_72 : memref<128x128xf32, #tpu.memory_space<vmem>>)
    %mul3A_79 = arith.constant 512 : i32
    %mul3A_80 = arith.muli %add3A, %mul3A_79 : i32
    "tpu.region"() ({
      %run_scoped3A = tpu.sem_alloc : memref<!tpu.dma_semaphore, #tpu.memory_space<semaphore_mem>>
      %dma_start3A_81 = arith.constant 0 : i32
      %dma_start3A_82 = tpu.memref_slice %arg4[%mul3A_80, %dma_start3A_81] : memref<16384x128xf32, #tpu.memory_space<hbm>> -> memref<512x128xf32, #tpu.memory_space<hbm>>
      %dma_start3A_83 = arith.constant 0 : i32
      %dma_start3A_84 = tpu.memref_slice %arg4[%mul3A_80, %dma_start3A_83] : memref<16384x128xf32, #tpu.memory_space<hbm>> -> memref<512x128xf32, #tpu.memory_space<hbm>>
      tpu.enqueue_dma source(%arg6 : memref<512x128xf32, #tpu.memory_space<vmem>>) target(%dma_start3A_84 : memref<512x128xf32, #tpu.memory_space<hbm>>) target_semaphore(%run_scoped3A : memref<!tpu.dma_semaphore, #tpu.memory_space<semaphore_mem>>)
      %dma_wait3A_85 = arith.constant 0 : i32
      %dma_wait3A_86 = tpu.memref_slice %arg4[%mul3A_80, %dma_wait3A_85] : memref<16384x128xf32, #tpu.memory_space<hbm>> -> memref<512x128xf32, #tpu.memory_space<hbm>>
      %dma_wait3A_87 = arith.constant 0 : i32
      %dma_wait3A_88 = tpu.memref_slice %arg4[%mul3A_80, %dma_wait3A_87] : memref<16384x128xf32, #tpu.memory_space<hbm>> -> memref<512x128xf32, #tpu.memory_space<hbm>>
      tpu.wait_dma2 semaphore(%run_scoped3A : memref<!tpu.dma_semaphore, #tpu.memory_space<semaphore_mem>>) src(%arg6 : memref<512x128xf32, #tpu.memory_space<vmem>>) dst(%dma_wait3A_88 : memref<512x128xf32, #tpu.memory_space<hbm>>)
      tpu.yield
    }) : () -> ()
    return
  }
}

module attributes {stable_mosaic.version = 14 : i64} {
  func.func @_argmin_body(%arg0: i32, %arg1: memref<2048x1xf32, #tpu.memory_space<vmem>>, %arg2: memref<2048x128xf32, #tpu.memory_space<vmem>>, %arg3: memref<8192x128xf32, #tpu.memory_space<vmem>>, %arg4: memref<8x8192xf32, #tpu.memory_space<vmem>>, %arg5: memref<2048x8xi32, #tpu.memory_space<vmem>>) attributes {dimension_semantics = [#tpu.dimension_semantics<arbitrary>], iteration_bounds = array<i64: 8>, scalar_prefetch = 0 : i64, scratch_operands = 0 : i64, tpu.core_type = #tpu.core_type<tc>, window_params = [{transform_indices = @transform_0, window_bounds = array<i64: 2048, 1>}, {transform_indices = @transform_1, window_bounds = array<i64: 2048, 128>}, {pipeline_mode = #tpu.pipeline_mode<synchronous>, transform_indices = @transform_2, window_bounds = array<i64: 8192, 128>}, {pipeline_mode = #tpu.pipeline_mode<synchronous>, transform_indices = @transform_3, window_bounds = array<i64: 8, 8192>}, {transform_indices = @transform_4, window_bounds = array<i64: 2048, 8>}]} {
    %get3A = arith.constant 0 : index
    %get3A_0 = arith.constant 0 : index
    %get3A_1 = vector.load %arg2[%get3A, %get3A_0] : memref<2048x128xf32, #tpu.memory_space<vmem>>, vector<2048x128xf32>
    %get3A_2 = arith.constant 0 : index
    %get3A_3 = arith.constant 0 : index
    %get3A_4 = vector.load %arg1[%get3A_2, %get3A_3] : memref<2048x1xf32, #tpu.memory_space<vmem>>, vector<2048x1xf32>
    %broadcast_in_dim3A = arith.constant 0x7F800000 : f32
    %broadcast_in_dim3A_5 = vector.broadcast %broadcast_in_dim3A : f32 to vector<2048x1xf32>
    %broadcast_in_dim3A_6 = arith.constant 0 : i32
    %broadcast_in_dim3A_7 = vector.broadcast %broadcast_in_dim3A_6 : i32 to vector<2048x1xi32>
    %get3A_8 = arith.constant 0 : index
    %get3A_9 = arith.constant 0 : index
    %get3A_10 = vector.load %arg3[%get3A_8, %get3A_9] : memref<8192x128xf32, #tpu.memory_space<vmem>>, vector<1024x128xf32>
    %dot_general3A = arith.constant dense<0.000000e+00> : vector<2048x1024xf32>
    %dot_general3A_11 = tpu.matmul %get3A_1, %get3A_10, %dot_general3A {dimension_numbers = #tpu.dot_dimension_numbers<[1], [1], [0], [0], [0, 0, 1, 0], [], []>, transpose_lhs_hint = false} : vector<2048x128xf32>, vector<1024x128xf32>, vector<2048x1024xf32> -> vector<2048x1024xf32>
    %mul3A = arith.constant 2.000000e+00 : f32
    %mul3A_12 = vector.broadcast %mul3A : f32 to vector<2048x1024xf32>
    %mul3A_13 = arith.mulf %mul3A_12, %dot_general3A_11 : vector<2048x1024xf32>
    %sub3A = vector.broadcast %get3A_4 : vector<2048x1xf32> to vector<2048x1024xf32>
    %sub3A_14 = arith.subf %sub3A, %mul3A_13 : vector<2048x1024xf32>
    %get3A_15 = arith.constant 0 : index
    %get3A_16 = arith.constant 0 : index
    %get3A_17 = vector.load %arg4[%get3A_15, %get3A_16] : memref<8x8192xf32, #tpu.memory_space<vmem>>, vector<1x1024xf32>
    %add3A = vector.broadcast %get3A_17 : vector<1x1024xf32> to vector<2048x1024xf32>
    %add3A_18 = arith.addf %sub3A_14, %add3A : vector<2048x1024xf32>
    %reduce_min3A = arith.constant dense<0x7F800000> : vector<2048xf32>
    %reduce_min3A_19 = vector.multi_reduction <minimumf>, %add3A_18, %reduce_min3A [1] : vector<2048x1024xf32> to vector<2048xf32>
    %broadcast_in_dim3A_20 = vector.shape_cast %reduce_min3A_19 : vector<2048xf32> to vector<2048x1xf32>
    %iota3A = tpu.iota {dimensions = array<i32: 1>} : vector<2048x1024xi32>
    %eq3A = vector.broadcast %broadcast_in_dim3A_20 : vector<2048x1xf32> to vector<2048x1024xf32>
    %eq3A_21 = arith.cmpf oeq, %add3A_18, %eq3A : vector<2048x1024xf32>
    %jit3A = arith.constant 1073741824 : i32
    %broadcast_in_dim3A_22 = vector.broadcast %jit3A : i32 to vector<2048x1024xi32>
    %select_n3A = arith.select %eq3A_21, %iota3A, %broadcast_in_dim3A_22 : vector<2048x1024xi1>, vector<2048x1024xi32>
    %reduce_min3A_23 = arith.constant dense<2147483647> : vector<2048xi32>
    %reduce_min3A_24 = vector.multi_reduction <minsi>, %select_n3A, %reduce_min3A_23 [1] : vector<2048x1024xi32> to vector<2048xi32>
    %broadcast_in_dim3A_25 = vector.shape_cast %reduce_min3A_24 : vector<2048xi32> to vector<2048x1xi32>
    %add3A_26 = arith.constant 0 : i32
    %add3A_27 = vector.broadcast %add3A_26 : i32 to vector<2048x1xi32>
    %add3A_28 = arith.addi %broadcast_in_dim3A_25, %add3A_27 : vector<2048x1xi32>
    %lt3A = arith.cmpf olt, %broadcast_in_dim3A_20, %broadcast_in_dim3A_5 : vector<2048x1xf32>
    %select_n3A_29 = arith.select %lt3A, %add3A_28, %broadcast_in_dim3A_7 : vector<2048x1xi1>, vector<2048x1xi32>
    %select_n3A_30 = arith.select %lt3A, %broadcast_in_dim3A_20, %broadcast_in_dim3A_5 : vector<2048x1xi1>, vector<2048x1xf32>
    %get3A_31 = arith.constant 1024 : index
    %get3A_32 = arith.constant 0 : index
    %get3A_33 = vector.load %arg3[%get3A_31, %get3A_32] : memref<8192x128xf32, #tpu.memory_space<vmem>>, vector<1024x128xf32>
    %dot_general3A_34 = arith.constant dense<0.000000e+00> : vector<2048x1024xf32>
    %dot_general3A_35 = tpu.matmul %get3A_1, %get3A_33, %dot_general3A_34 {dimension_numbers = #tpu.dot_dimension_numbers<[1], [1], [0], [0], [0, 0, 1, 0], [], []>, transpose_lhs_hint = false} : vector<2048x128xf32>, vector<1024x128xf32>, vector<2048x1024xf32> -> vector<2048x1024xf32>
    %mul3A_36 = arith.constant 2.000000e+00 : f32
    %mul3A_37 = vector.broadcast %mul3A_36 : f32 to vector<2048x1024xf32>
    %mul3A_38 = arith.mulf %mul3A_37, %dot_general3A_35 : vector<2048x1024xf32>
    %sub3A_39 = vector.broadcast %get3A_4 : vector<2048x1xf32> to vector<2048x1024xf32>
    %sub3A_40 = arith.subf %sub3A_39, %mul3A_38 : vector<2048x1024xf32>
    %get3A_41 = arith.constant 0 : index
    %get3A_42 = arith.constant 1024 : index
    %get3A_43 = vector.load %arg4[%get3A_41, %get3A_42] : memref<8x8192xf32, #tpu.memory_space<vmem>>, vector<1x1024xf32>
    %add3A_44 = vector.broadcast %get3A_43 : vector<1x1024xf32> to vector<2048x1024xf32>
    %add3A_45 = arith.addf %sub3A_40, %add3A_44 : vector<2048x1024xf32>
    %reduce_min3A_46 = arith.constant dense<0x7F800000> : vector<2048xf32>
    %reduce_min3A_47 = vector.multi_reduction <minimumf>, %add3A_45, %reduce_min3A_46 [1] : vector<2048x1024xf32> to vector<2048xf32>
    %broadcast_in_dim3A_48 = vector.shape_cast %reduce_min3A_47 : vector<2048xf32> to vector<2048x1xf32>
    %iota3A_49 = tpu.iota {dimensions = array<i32: 1>} : vector<2048x1024xi32>
    %eq3A_50 = vector.broadcast %broadcast_in_dim3A_48 : vector<2048x1xf32> to vector<2048x1024xf32>
    %eq3A_51 = arith.cmpf oeq, %add3A_45, %eq3A_50 : vector<2048x1024xf32>
    %jit3A_52 = arith.constant 1073741824 : i32
    %broadcast_in_dim3A_53 = vector.broadcast %jit3A_52 : i32 to vector<2048x1024xi32>
    %select_n3A_54 = arith.select %eq3A_51, %iota3A_49, %broadcast_in_dim3A_53 : vector<2048x1024xi1>, vector<2048x1024xi32>
    %reduce_min3A_55 = arith.constant dense<2147483647> : vector<2048xi32>
    %reduce_min3A_56 = vector.multi_reduction <minsi>, %select_n3A_54, %reduce_min3A_55 [1] : vector<2048x1024xi32> to vector<2048xi32>
    %broadcast_in_dim3A_57 = vector.shape_cast %reduce_min3A_56 : vector<2048xi32> to vector<2048x1xi32>
    %add3A_58 = arith.constant 1024 : i32
    %add3A_59 = vector.broadcast %add3A_58 : i32 to vector<2048x1xi32>
    %add3A_60 = arith.addi %broadcast_in_dim3A_57, %add3A_59 : vector<2048x1xi32>
    %lt3A_61 = arith.cmpf olt, %broadcast_in_dim3A_48, %select_n3A_30 : vector<2048x1xf32>
    %select_n3A_62 = arith.select %lt3A_61, %add3A_60, %select_n3A_29 : vector<2048x1xi1>, vector<2048x1xi32>
    %select_n3A_63 = arith.select %lt3A_61, %broadcast_in_dim3A_48, %select_n3A_30 : vector<2048x1xi1>, vector<2048x1xf32>
    %get3A_64 = arith.constant 2048 : index
    %get3A_65 = arith.constant 0 : index
    %get3A_66 = vector.load %arg3[%get3A_64, %get3A_65] : memref<8192x128xf32, #tpu.memory_space<vmem>>, vector<1024x128xf32>
    %dot_general3A_67 = arith.constant dense<0.000000e+00> : vector<2048x1024xf32>
    %dot_general3A_68 = tpu.matmul %get3A_1, %get3A_66, %dot_general3A_67 {dimension_numbers = #tpu.dot_dimension_numbers<[1], [1], [0], [0], [0, 0, 1, 0], [], []>, transpose_lhs_hint = false} : vector<2048x128xf32>, vector<1024x128xf32>, vector<2048x1024xf32> -> vector<2048x1024xf32>
    %mul3A_69 = arith.constant 2.000000e+00 : f32
    %mul3A_70 = vector.broadcast %mul3A_69 : f32 to vector<2048x1024xf32>
    %mul3A_71 = arith.mulf %mul3A_70, %dot_general3A_68 : vector<2048x1024xf32>
    %sub3A_72 = vector.broadcast %get3A_4 : vector<2048x1xf32> to vector<2048x1024xf32>
    %sub3A_73 = arith.subf %sub3A_72, %mul3A_71 : vector<2048x1024xf32>
    %get3A_74 = arith.constant 0 : index
    %get3A_75 = arith.constant 2048 : index
    %get3A_76 = vector.load %arg4[%get3A_74, %get3A_75] : memref<8x8192xf32, #tpu.memory_space<vmem>>, vector<1x1024xf32>
    %add3A_77 = vector.broadcast %get3A_76 : vector<1x1024xf32> to vector<2048x1024xf32>
    %add3A_78 = arith.addf %sub3A_73, %add3A_77 : vector<2048x1024xf32>
    %reduce_min3A_79 = arith.constant dense<0x7F800000> : vector<2048xf32>
    %reduce_min3A_80 = vector.multi_reduction <minimumf>, %add3A_78, %reduce_min3A_79 [1] : vector<2048x1024xf32> to vector<2048xf32>
    %broadcast_in_dim3A_81 = vector.shape_cast %reduce_min3A_80 : vector<2048xf32> to vector<2048x1xf32>
    %iota3A_82 = tpu.iota {dimensions = array<i32: 1>} : vector<2048x1024xi32>
    %eq3A_83 = vector.broadcast %broadcast_in_dim3A_81 : vector<2048x1xf32> to vector<2048x1024xf32>
    %eq3A_84 = arith.cmpf oeq, %add3A_78, %eq3A_83 : vector<2048x1024xf32>
    %jit3A_85 = arith.constant 1073741824 : i32
    %broadcast_in_dim3A_86 = vector.broadcast %jit3A_85 : i32 to vector<2048x1024xi32>
    %select_n3A_87 = arith.select %eq3A_84, %iota3A_82, %broadcast_in_dim3A_86 : vector<2048x1024xi1>, vector<2048x1024xi32>
    %reduce_min3A_88 = arith.constant dense<2147483647> : vector<2048xi32>
    %reduce_min3A_89 = vector.multi_reduction <minsi>, %select_n3A_87, %reduce_min3A_88 [1] : vector<2048x1024xi32> to vector<2048xi32>
    %broadcast_in_dim3A_90 = vector.shape_cast %reduce_min3A_89 : vector<2048xi32> to vector<2048x1xi32>
    %add3A_91 = arith.constant 2048 : i32
    %add3A_92 = vector.broadcast %add3A_91 : i32 to vector<2048x1xi32>
    %add3A_93 = arith.addi %broadcast_in_dim3A_90, %add3A_92 : vector<2048x1xi32>
    %lt3A_94 = arith.cmpf olt, %broadcast_in_dim3A_81, %select_n3A_63 : vector<2048x1xf32>
    %select_n3A_95 = arith.select %lt3A_94, %add3A_93, %select_n3A_62 : vector<2048x1xi1>, vector<2048x1xi32>
    %select_n3A_96 = arith.select %lt3A_94, %broadcast_in_dim3A_81, %select_n3A_63 : vector<2048x1xi1>, vector<2048x1xf32>
    %get3A_97 = arith.constant 3072 : index
    %get3A_98 = arith.constant 0 : index
    %get3A_99 = vector.load %arg3[%get3A_97, %get3A_98] : memref<8192x128xf32, #tpu.memory_space<vmem>>, vector<1024x128xf32>
    %dot_general3A_100 = arith.constant dense<0.000000e+00> : vector<2048x1024xf32>
    %dot_general3A_101 = tpu.matmul %get3A_1, %get3A_99, %dot_general3A_100 {dimension_numbers = #tpu.dot_dimension_numbers<[1], [1], [0], [0], [0, 0, 1, 0], [], []>, transpose_lhs_hint = false} : vector<2048x128xf32>, vector<1024x128xf32>, vector<2048x1024xf32> -> vector<2048x1024xf32>
    %mul3A_102 = arith.constant 2.000000e+00 : f32
    %mul3A_103 = vector.broadcast %mul3A_102 : f32 to vector<2048x1024xf32>
    %mul3A_104 = arith.mulf %mul3A_103, %dot_general3A_101 : vector<2048x1024xf32>
    %sub3A_105 = vector.broadcast %get3A_4 : vector<2048x1xf32> to vector<2048x1024xf32>
    %sub3A_106 = arith.subf %sub3A_105, %mul3A_104 : vector<2048x1024xf32>
    %get3A_107 = arith.constant 0 : index
    %get3A_108 = arith.constant 3072 : index
    %get3A_109 = vector.load %arg4[%get3A_107, %get3A_108] : memref<8x8192xf32, #tpu.memory_space<vmem>>, vector<1x1024xf32>
    %add3A_110 = vector.broadcast %get3A_109 : vector<1x1024xf32> to vector<2048x1024xf32>
    %add3A_111 = arith.addf %sub3A_106, %add3A_110 : vector<2048x1024xf32>
    %reduce_min3A_112 = arith.constant dense<0x7F800000> : vector<2048xf32>
    %reduce_min3A_113 = vector.multi_reduction <minimumf>, %add3A_111, %reduce_min3A_112 [1] : vector<2048x1024xf32> to vector<2048xf32>
    %broadcast_in_dim3A_114 = vector.shape_cast %reduce_min3A_113 : vector<2048xf32> to vector<2048x1xf32>
    %iota3A_115 = tpu.iota {dimensions = array<i32: 1>} : vector<2048x1024xi32>
    %eq3A_116 = vector.broadcast %broadcast_in_dim3A_114 : vector<2048x1xf32> to vector<2048x1024xf32>
    %eq3A_117 = arith.cmpf oeq, %add3A_111, %eq3A_116 : vector<2048x1024xf32>
    %jit3A_118 = arith.constant 1073741824 : i32
    %broadcast_in_dim3A_119 = vector.broadcast %jit3A_118 : i32 to vector<2048x1024xi32>
    %select_n3A_120 = arith.select %eq3A_117, %iota3A_115, %broadcast_in_dim3A_119 : vector<2048x1024xi1>, vector<2048x1024xi32>
    %reduce_min3A_121 = arith.constant dense<2147483647> : vector<2048xi32>
    %reduce_min3A_122 = vector.multi_reduction <minsi>, %select_n3A_120, %reduce_min3A_121 [1] : vector<2048x1024xi32> to vector<2048xi32>
    %broadcast_in_dim3A_123 = vector.shape_cast %reduce_min3A_122 : vector<2048xi32> to vector<2048x1xi32>
    %add3A_124 = arith.constant 3072 : i32
    %add3A_125 = vector.broadcast %add3A_124 : i32 to vector<2048x1xi32>
    %add3A_126 = arith.addi %broadcast_in_dim3A_123, %add3A_125 : vector<2048x1xi32>
    %lt3A_127 = arith.cmpf olt, %broadcast_in_dim3A_114, %select_n3A_96 : vector<2048x1xf32>
    %select_n3A_128 = arith.select %lt3A_127, %add3A_126, %select_n3A_95 : vector<2048x1xi1>, vector<2048x1xi32>
    %select_n3A_129 = arith.select %lt3A_127, %broadcast_in_dim3A_114, %select_n3A_96 : vector<2048x1xi1>, vector<2048x1xf32>
    %get3A_130 = arith.constant 4096 : index
    %get3A_131 = arith.constant 0 : index
    %get3A_132 = vector.load %arg3[%get3A_130, %get3A_131] : memref<8192x128xf32, #tpu.memory_space<vmem>>, vector<1024x128xf32>
    %dot_general3A_133 = arith.constant dense<0.000000e+00> : vector<2048x1024xf32>
    %dot_general3A_134 = tpu.matmul %get3A_1, %get3A_132, %dot_general3A_133 {dimension_numbers = #tpu.dot_dimension_numbers<[1], [1], [0], [0], [0, 0, 1, 0], [], []>, transpose_lhs_hint = false} : vector<2048x128xf32>, vector<1024x128xf32>, vector<2048x1024xf32> -> vector<2048x1024xf32>
    %mul3A_135 = arith.constant 2.000000e+00 : f32
    %mul3A_136 = vector.broadcast %mul3A_135 : f32 to vector<2048x1024xf32>
    %mul3A_137 = arith.mulf %mul3A_136, %dot_general3A_134 : vector<2048x1024xf32>
    %sub3A_138 = vector.broadcast %get3A_4 : vector<2048x1xf32> to vector<2048x1024xf32>
    %sub3A_139 = arith.subf %sub3A_138, %mul3A_137 : vector<2048x1024xf32>
    %get3A_140 = arith.constant 0 : index
    %get3A_141 = arith.constant 4096 : index
    %get3A_142 = vector.load %arg4[%get3A_140, %get3A_141] : memref<8x8192xf32, #tpu.memory_space<vmem>>, vector<1x1024xf32>
    %add3A_143 = vector.broadcast %get3A_142 : vector<1x1024xf32> to vector<2048x1024xf32>
    %add3A_144 = arith.addf %sub3A_139, %add3A_143 : vector<2048x1024xf32>
    %reduce_min3A_145 = arith.constant dense<0x7F800000> : vector<2048xf32>
    %reduce_min3A_146 = vector.multi_reduction <minimumf>, %add3A_144, %reduce_min3A_145 [1] : vector<2048x1024xf32> to vector<2048xf32>
    %broadcast_in_dim3A_147 = vector.shape_cast %reduce_min3A_146 : vector<2048xf32> to vector<2048x1xf32>
    %iota3A_148 = tpu.iota {dimensions = array<i32: 1>} : vector<2048x1024xi32>
    %eq3A_149 = vector.broadcast %broadcast_in_dim3A_147 : vector<2048x1xf32> to vector<2048x1024xf32>
    %eq3A_150 = arith.cmpf oeq, %add3A_144, %eq3A_149 : vector<2048x1024xf32>
    %jit3A_151 = arith.constant 1073741824 : i32
    %broadcast_in_dim3A_152 = vector.broadcast %jit3A_151 : i32 to vector<2048x1024xi32>
    %select_n3A_153 = arith.select %eq3A_150, %iota3A_148, %broadcast_in_dim3A_152 : vector<2048x1024xi1>, vector<2048x1024xi32>
    %reduce_min3A_154 = arith.constant dense<2147483647> : vector<2048xi32>
    %reduce_min3A_155 = vector.multi_reduction <minsi>, %select_n3A_153, %reduce_min3A_154 [1] : vector<2048x1024xi32> to vector<2048xi32>
    %broadcast_in_dim3A_156 = vector.shape_cast %reduce_min3A_155 : vector<2048xi32> to vector<2048x1xi32>
    %add3A_157 = arith.constant 4096 : i32
    %add3A_158 = vector.broadcast %add3A_157 : i32 to vector<2048x1xi32>
    %add3A_159 = arith.addi %broadcast_in_dim3A_156, %add3A_158 : vector<2048x1xi32>
    %lt3A_160 = arith.cmpf olt, %broadcast_in_dim3A_147, %select_n3A_129 : vector<2048x1xf32>
    %select_n3A_161 = arith.select %lt3A_160, %add3A_159, %select_n3A_128 : vector<2048x1xi1>, vector<2048x1xi32>
    %select_n3A_162 = arith.select %lt3A_160, %broadcast_in_dim3A_147, %select_n3A_129 : vector<2048x1xi1>, vector<2048x1xf32>
    %get3A_163 = arith.constant 5120 : index
    %get3A_164 = arith.constant 0 : index
    %get3A_165 = vector.load %arg3[%get3A_163, %get3A_164] : memref<8192x128xf32, #tpu.memory_space<vmem>>, vector<1024x128xf32>
    %dot_general3A_166 = arith.constant dense<0.000000e+00> : vector<2048x1024xf32>
    %dot_general3A_167 = tpu.matmul %get3A_1, %get3A_165, %dot_general3A_166 {dimension_numbers = #tpu.dot_dimension_numbers<[1], [1], [0], [0], [0, 0, 1, 0], [], []>, transpose_lhs_hint = false} : vector<2048x128xf32>, vector<1024x128xf32>, vector<2048x1024xf32> -> vector<2048x1024xf32>
    %mul3A_168 = arith.constant 2.000000e+00 : f32
    %mul3A_169 = vector.broadcast %mul3A_168 : f32 to vector<2048x1024xf32>
    %mul3A_170 = arith.mulf %mul3A_169, %dot_general3A_167 : vector<2048x1024xf32>
    %sub3A_171 = vector.broadcast %get3A_4 : vector<2048x1xf32> to vector<2048x1024xf32>
    %sub3A_172 = arith.subf %sub3A_171, %mul3A_170 : vector<2048x1024xf32>
    %get3A_173 = arith.constant 0 : index
    %get3A_174 = arith.constant 5120 : index
    %get3A_175 = vector.load %arg4[%get3A_173, %get3A_174] : memref<8x8192xf32, #tpu.memory_space<vmem>>, vector<1x1024xf32>
    %add3A_176 = vector.broadcast %get3A_175 : vector<1x1024xf32> to vector<2048x1024xf32>
    %add3A_177 = arith.addf %sub3A_172, %add3A_176 : vector<2048x1024xf32>
    %reduce_min3A_178 = arith.constant dense<0x7F800000> : vector<2048xf32>
    %reduce_min3A_179 = vector.multi_reduction <minimumf>, %add3A_177, %reduce_min3A_178 [1] : vector<2048x1024xf32> to vector<2048xf32>
    %broadcast_in_dim3A_180 = vector.shape_cast %reduce_min3A_179 : vector<2048xf32> to vector<2048x1xf32>
    %iota3A_181 = tpu.iota {dimensions = array<i32: 1>} : vector<2048x1024xi32>
    %eq3A_182 = vector.broadcast %broadcast_in_dim3A_180 : vector<2048x1xf32> to vector<2048x1024xf32>
    %eq3A_183 = arith.cmpf oeq, %add3A_177, %eq3A_182 : vector<2048x1024xf32>
    %jit3A_184 = arith.constant 1073741824 : i32
    %broadcast_in_dim3A_185 = vector.broadcast %jit3A_184 : i32 to vector<2048x1024xi32>
    %select_n3A_186 = arith.select %eq3A_183, %iota3A_181, %broadcast_in_dim3A_185 : vector<2048x1024xi1>, vector<2048x1024xi32>
    %reduce_min3A_187 = arith.constant dense<2147483647> : vector<2048xi32>
    %reduce_min3A_188 = vector.multi_reduction <minsi>, %select_n3A_186, %reduce_min3A_187 [1] : vector<2048x1024xi32> to vector<2048xi32>
    %broadcast_in_dim3A_189 = vector.shape_cast %reduce_min3A_188 : vector<2048xi32> to vector<2048x1xi32>
    %add3A_190 = arith.constant 5120 : i32
    %add3A_191 = vector.broadcast %add3A_190 : i32 to vector<2048x1xi32>
    %add3A_192 = arith.addi %broadcast_in_dim3A_189, %add3A_191 : vector<2048x1xi32>
    %lt3A_193 = arith.cmpf olt, %broadcast_in_dim3A_180, %select_n3A_162 : vector<2048x1xf32>
    %select_n3A_194 = arith.select %lt3A_193, %add3A_192, %select_n3A_161 : vector<2048x1xi1>, vector<2048x1xi32>
    %select_n3A_195 = arith.select %lt3A_193, %broadcast_in_dim3A_180, %select_n3A_162 : vector<2048x1xi1>, vector<2048x1xf32>
    %get3A_196 = arith.constant 6144 : index
    %get3A_197 = arith.constant 0 : index
    %get3A_198 = vector.load %arg3[%get3A_196, %get3A_197] : memref<8192x128xf32, #tpu.memory_space<vmem>>, vector<1024x128xf32>
    %dot_general3A_199 = arith.constant dense<0.000000e+00> : vector<2048x1024xf32>
    %dot_general3A_200 = tpu.matmul %get3A_1, %get3A_198, %dot_general3A_199 {dimension_numbers = #tpu.dot_dimension_numbers<[1], [1], [0], [0], [0, 0, 1, 0], [], []>, transpose_lhs_hint = false} : vector<2048x128xf32>, vector<1024x128xf32>, vector<2048x1024xf32> -> vector<2048x1024xf32>
    %mul3A_201 = arith.constant 2.000000e+00 : f32
    %mul3A_202 = vector.broadcast %mul3A_201 : f32 to vector<2048x1024xf32>
    %mul3A_203 = arith.mulf %mul3A_202, %dot_general3A_200 : vector<2048x1024xf32>
    %sub3A_204 = vector.broadcast %get3A_4 : vector<2048x1xf32> to vector<2048x1024xf32>
    %sub3A_205 = arith.subf %sub3A_204, %mul3A_203 : vector<2048x1024xf32>
    %get3A_206 = arith.constant 0 : index
    %get3A_207 = arith.constant 6144 : index
    %get3A_208 = vector.load %arg4[%get3A_206, %get3A_207] : memref<8x8192xf32, #tpu.memory_space<vmem>>, vector<1x1024xf32>
    %add3A_209 = vector.broadcast %get3A_208 : vector<1x1024xf32> to vector<2048x1024xf32>
    %add3A_210 = arith.addf %sub3A_205, %add3A_209 : vector<2048x1024xf32>
    %reduce_min3A_211 = arith.constant dense<0x7F800000> : vector<2048xf32>
    %reduce_min3A_212 = vector.multi_reduction <minimumf>, %add3A_210, %reduce_min3A_211 [1] : vector<2048x1024xf32> to vector<2048xf32>
    %broadcast_in_dim3A_213 = vector.shape_cast %reduce_min3A_212 : vector<2048xf32> to vector<2048x1xf32>
    %iota3A_214 = tpu.iota {dimensions = array<i32: 1>} : vector<2048x1024xi32>
    %eq3A_215 = vector.broadcast %broadcast_in_dim3A_213 : vector<2048x1xf32> to vector<2048x1024xf32>
    %eq3A_216 = arith.cmpf oeq, %add3A_210, %eq3A_215 : vector<2048x1024xf32>
    %jit3A_217 = arith.constant 1073741824 : i32
    %broadcast_in_dim3A_218 = vector.broadcast %jit3A_217 : i32 to vector<2048x1024xi32>
    %select_n3A_219 = arith.select %eq3A_216, %iota3A_214, %broadcast_in_dim3A_218 : vector<2048x1024xi1>, vector<2048x1024xi32>
    %reduce_min3A_220 = arith.constant dense<2147483647> : vector<2048xi32>
    %reduce_min3A_221 = vector.multi_reduction <minsi>, %select_n3A_219, %reduce_min3A_220 [1] : vector<2048x1024xi32> to vector<2048xi32>
    %broadcast_in_dim3A_222 = vector.shape_cast %reduce_min3A_221 : vector<2048xi32> to vector<2048x1xi32>
    %add3A_223 = arith.constant 6144 : i32
    %add3A_224 = vector.broadcast %add3A_223 : i32 to vector<2048x1xi32>
    %add3A_225 = arith.addi %broadcast_in_dim3A_222, %add3A_224 : vector<2048x1xi32>
    %lt3A_226 = arith.cmpf olt, %broadcast_in_dim3A_213, %select_n3A_195 : vector<2048x1xf32>
    %select_n3A_227 = arith.select %lt3A_226, %add3A_225, %select_n3A_194 : vector<2048x1xi1>, vector<2048x1xi32>
    %select_n3A_228 = arith.select %lt3A_226, %broadcast_in_dim3A_213, %select_n3A_195 : vector<2048x1xi1>, vector<2048x1xf32>
    %get3A_229 = arith.constant 7168 : index
    %get3A_230 = arith.constant 0 : index
    %get3A_231 = vector.load %arg3[%get3A_229, %get3A_230] : memref<8192x128xf32, #tpu.memory_space<vmem>>, vector<1024x128xf32>
    %dot_general3A_232 = arith.constant dense<0.000000e+00> : vector<2048x1024xf32>
    %dot_general3A_233 = tpu.matmul %get3A_1, %get3A_231, %dot_general3A_232 {dimension_numbers = #tpu.dot_dimension_numbers<[1], [1], [0], [0], [0, 0, 1, 0], [], []>, transpose_lhs_hint = false} : vector<2048x128xf32>, vector<1024x128xf32>, vector<2048x1024xf32> -> vector<2048x1024xf32>
    %mul3A_234 = arith.constant 2.000000e+00 : f32
    %mul3A_235 = vector.broadcast %mul3A_234 : f32 to vector<2048x1024xf32>
    %mul3A_236 = arith.mulf %mul3A_235, %dot_general3A_233 : vector<2048x1024xf32>
    %sub3A_237 = vector.broadcast %get3A_4 : vector<2048x1xf32> to vector<2048x1024xf32>
    %sub3A_238 = arith.subf %sub3A_237, %mul3A_236 : vector<2048x1024xf32>
    %get3A_239 = arith.constant 0 : index
    %get3A_240 = arith.constant 7168 : index
    %get3A_241 = vector.load %arg4[%get3A_239, %get3A_240] : memref<8x8192xf32, #tpu.memory_space<vmem>>, vector<1x1024xf32>
    %add3A_242 = vector.broadcast %get3A_241 : vector<1x1024xf32> to vector<2048x1024xf32>
    %add3A_243 = arith.addf %sub3A_238, %add3A_242 : vector<2048x1024xf32>
    %reduce_min3A_244 = arith.constant dense<0x7F800000> : vector<2048xf32>
    %reduce_min3A_245 = vector.multi_reduction <minimumf>, %add3A_243, %reduce_min3A_244 [1] : vector<2048x1024xf32> to vector<2048xf32>
    %broadcast_in_dim3A_246 = vector.shape_cast %reduce_min3A_245 : vector<2048xf32> to vector<2048x1xf32>
    %iota3A_247 = tpu.iota {dimensions = array<i32: 1>} : vector<2048x1024xi32>
    %eq3A_248 = vector.broadcast %broadcast_in_dim3A_246 : vector<2048x1xf32> to vector<2048x1024xf32>
    %eq3A_249 = arith.cmpf oeq, %add3A_243, %eq3A_248 : vector<2048x1024xf32>
    %jit3A_250 = arith.constant 1073741824 : i32
    %broadcast_in_dim3A_251 = vector.broadcast %jit3A_250 : i32 to vector<2048x1024xi32>
    %select_n3A_252 = arith.select %eq3A_249, %iota3A_247, %broadcast_in_dim3A_251 : vector<2048x1024xi1>, vector<2048x1024xi32>
    %reduce_min3A_253 = arith.constant dense<2147483647> : vector<2048xi32>
    %reduce_min3A_254 = vector.multi_reduction <minsi>, %select_n3A_252, %reduce_min3A_253 [1] : vector<2048x1024xi32> to vector<2048xi32>
    %broadcast_in_dim3A_255 = vector.shape_cast %reduce_min3A_254 : vector<2048xi32> to vector<2048x1xi32>
    %add3A_256 = arith.constant 7168 : i32
    %add3A_257 = vector.broadcast %add3A_256 : i32 to vector<2048x1xi32>
    %add3A_258 = arith.addi %broadcast_in_dim3A_255, %add3A_257 : vector<2048x1xi32>
    %lt3A_259 = arith.cmpf olt, %broadcast_in_dim3A_246, %select_n3A_228 : vector<2048x1xf32>
    %select_n3A_260 = arith.select %lt3A_259, %add3A_258, %select_n3A_227 : vector<2048x1xi1>, vector<2048x1xi32>
    %broadcast_in_dim3A_261 = vector.shape_cast %select_n3A_260 : vector<2048x1xi32> to vector<2048x1xi32>
    %broadcast_in_dim3A_262 = vector.broadcast %broadcast_in_dim3A_261 : vector<2048x1xi32> to vector<2048x8xi32>
    %swap3A = arith.constant 0 : index
    %swap3A_263 = arith.constant 0 : index
    %swap3A_264 = vector.load %arg5[%swap3A, %swap3A_263] : memref<2048x8xi32, #tpu.memory_space<vmem>>, vector<2048x8xi32>
    tpu.vector_store %arg5[%swap3A, %swap3A_263], %broadcast_in_dim3A_262 {strides = array<i32>} : memref<2048x8xi32, #tpu.memory_space<vmem>>, vector<2048x8xi32>,
    return
  }
  func.func @transform_0(%arg0: i32) -> (i32, i32) {
    %c0_i32 = arith.constant 0 : i32
    %c0_i32_0 = arith.constant 0 : i32
    return %arg0, %c0_i32 : i32, i32
  }
  func.func @transform_1(%arg0: i32) -> (i32, i32) {
    %c0_i32 = arith.constant 0 : i32
    %c0_i32_0 = arith.constant 0 : i32
    return %arg0, %c0_i32 : i32, i32
  }
  func.func @transform_2(%arg0: i32) -> (i32, i32) {
    %c0_i32 = arith.constant 0 : i32
    %c0_i32_0 = arith.constant 0 : i32
    %c0_i32_1 = arith.constant 0 : i32
    return %c0_i32, %c0_i32_0 : i32, i32
  }
  func.func @transform_3(%arg0: i32) -> (i32, i32) {
    %c0_i32 = arith.constant 0 : i32
    %c0_i32_0 = arith.constant 0 : i32
    %c0_i32_1 = arith.constant 0 : i32
    return %c0_i32, %c0_i32_0 : i32, i32
  }
  func.func @transform_4(%arg0: i32) -> (i32, i32) {
    %c0_i32 = arith.constant 0 : i32
    %c0_i32_0 = arith.constant 0 : i32
    return %arg0, %c0_i32 : i32, i32
  }
}

module attributes {stable_mosaic.version = 14 : i64} {
  func.func @_final_body(%arg0: i32, %arg1: memref<16384x64xf32, #tpu.memory_space<vmem>>, %arg2: memref<16384x128xf32, #tpu.memory_space<vmem>>, %arg3: memref<16384x64xf32, #tpu.memory_space<vmem>>, %arg4: memref<1x1xf32, #tpu.memory_space<smem>>) attributes {dimension_semantics = [#tpu.dimension_semantics<arbitrary>], iteration_bounds = array<i64: 1>, scalar_prefetch = 0 : i64, scratch_operands = 0 : i64, tpu.core_type = #tpu.core_type<tc>, window_params = [{pipeline_mode = #tpu.pipeline_mode<synchronous>, transform_indices = @transform_0, window_bounds = array<i64: 16384, 64>}, {pipeline_mode = #tpu.pipeline_mode<synchronous>, transform_indices = @transform_1, window_bounds = array<i64: 16384, 128>}, {pipeline_mode = #tpu.pipeline_mode<synchronous>, transform_indices = @transform_2, window_bounds = array<i64: 16384, 64>}, {transform_indices = @transform_3, window_bounds = array<i64: 1, 1>}]} {
    %get3A = arith.constant 0 : index
    %get3A_0 = arith.constant 0 : index
    %get3A_1 = vector.load %arg2[%get3A, %get3A_0] : memref<16384x128xf32, #tpu.memory_space<vmem>>, vector<16384x64xf32>
    %get3A_2 = arith.constant 0 : index
    %get3A_3 = arith.constant 0 : index
    %get3A_4 = vector.load %arg1[%get3A_2, %get3A_3] : memref<16384x64xf32, #tpu.memory_space<vmem>>, vector<16384x64xf32>
    %sub3A = arith.subf %get3A_1, %get3A_4 : vector<16384x64xf32>
    %get3A_5 = arith.constant 0 : index
    %get3A_6 = arith.constant 0 : index
    %get3A_7 = vector.load %arg1[%get3A_5, %get3A_6] : memref<16384x64xf32, #tpu.memory_space<vmem>>, vector<16384x64xf32>
    %add3A = arith.addf %get3A_7, %sub3A : vector<16384x64xf32>
    %swap3A = arith.constant 0 : index
    %swap3A_8 = arith.constant 0 : index
    %swap3A_9 = vector.load %arg3[%swap3A, %swap3A_8] : memref<16384x64xf32, #tpu.memory_space<vmem>>, vector<16384x64xf32>
    tpu.vector_store %arg3[%swap3A, %swap3A_8], %add3A {strides = array<i32>} : memref<16384x64xf32, #tpu.memory_space<vmem>>, vector<16384x64xf32>,
    %mul3A = arith.mulf %sub3A, %sub3A : vector<16384x64xf32>
    %reduce_sum3A = vector.shape_cast %mul3A : vector<16384x64xf32> to vector<1x16384x64xf32>
    %reduce_sum3A_10 = arith.constant dense<0.000000e+00> : vector<1xf32>
    %reduce_sum3A_11 = vector.multi_reduction <add>, %reduce_sum3A, %reduce_sum3A_10 [1, 2] : vector<1x16384x64xf32> to vector<1xf32>
    %reduce_sum3A_12 = vector.shape_cast %reduce_sum3A_11 : vector<1xf32> to vector<1x1x1xf32>
    %reduce_sum3A_13 = vector.extract %reduce_sum3A_12[0, 0, 0] : f32 from vector<1x1x1xf32>
    %div3A = arith.constant 0x49800000 : f32
    %div3A_14 = arith.divf %reduce_sum3A_13, %div3A : f32
    %mul3A_15 = arith.constant 1.250000e+00 : f32
    %mul3A_16 = arith.mulf %mul3A_15, %div3A_14 : f32
    %swap3A_17 = arith.constant 0 : index
    %swap3A_18 = arith.constant 0 : index
    %swap3A_19 = memref.load %arg4[%swap3A_17, %swap3A_18] : memref<1x1xf32, #tpu.memory_space<smem>>
    memref.store %mul3A_16, %arg4[%swap3A_17, %swap3A_18] : memref<1x1xf32, #tpu.memory_space<smem>>
    return
  }
  func.func @transform_0(%arg0: i32) -> (i32, i32) {
    %c0_i32 = arith.constant 0 : i32
    %c0_i32_0 = arith.constant 0 : i32
    %c0_i32_1 = arith.constant 0 : i32
    return %c0_i32, %c0_i32_0 : i32, i32
  }
  func.func @transform_1(%arg0: i32) -> (i32, i32) {
    %c0_i32 = arith.constant 0 : i32
    %c0_i32_0 = arith.constant 0 : i32
    %c0_i32_1 = arith.constant 0 : i32
    return %c0_i32, %c0_i32_0 : i32, i32
  }
  func.func @transform_2(%arg0: i32) -> (i32, i32) {
    %c0_i32 = arith.constant 0 : i32
    %c0_i32_0 = arith.constant 0 : i32
    %c0_i32_1 = arith.constant 0 : i32
    return %c0_i32, %c0_i32_0 : i32, i32
  }
  func.func @transform_3(%arg0: i32) -> (i32, i32) {
    %c0_i32 = arith.constant 0 : i32
    %c0_i32_0 = arith.constant 0 : i32
    %c0_i32_1 = arith.constant 0 : i32
    return %c0_i32, %c0_i32_0 : i32, i32
  }
}

</mosaic_0001>

<sc_bundles>
// kernel: kernel.5.cloned.1.call-start
scs
__scs_entry_jumppad:
0x0: {  	(pc) =	sbr.rel $0x88, $3  }
0x1: {  	(tag) =	ssettag $0x0;
	lr =	simm.s32 $0x1  }
0x2: {  	[smem:$0x3F9F] =	sst lr;
	_ =	strace $0xD0000000  }
0x3: {  	_ = 	snop  }
0x4: {  	_ = 	snop  }
0x5: {  	_ = 	snop  }
0x6: {  	_ = 	snop  }
0x7: {  	_ = 	snop  }
__scs_overlays_trampoline_lowered:
0x8: {  	[smem:$0x3FAE] =	sst s0  }
0x9: {  	[smem:$0x3FAF] =	sst s1  }
0xa: {  	[smem:$0x3FB0] =	sst s2  }
0xb: {  	[smem:$0x3FB1] =	sst s3  }
0xc: {  	[smem:$0x3FB2] =	sst s4  }
0xd: {  	[smem:$0x3FB3] =	sst s5  }
0xe: {  	[smem:$0x3FB4] =	sst s6  }
0xf: {  	[smem:$0x3FB5] =	sst s7  }
0x10: {  	[smem:$0x3FB6] =	sst s8  }
0x11: {  	[smem:$0x3FB7] =	sst s9;
	s0 =	simm.s32 @!p0 $0x0  }
0x12: {  	s1 =	sld [smem:$0x3F9D];
	s0 =	simm.s32 @p0 $0x1  }
0x13: {  	[smem:$0x3FB8] =	sst s0;
	s0 =	simm.s32 @!p1 $0x0  }
0x14: {  	s2 =	sld [smem:$0x3F9C];
	s0 =	simm.s32 @p1 $0x1  }
0x15: {  	[smem:$0x3FB9] =	sst s0;
	s0 =	simm.s32 @!p2 $0x0  }
0x16: {  	s3 =	sld [smem:$0x3FDB];
	s0 =	simm.s32 @p2 $0x1  }
0x17: {  	s4 =	simm.s32 $0x1BF5;
	[smem:$0x3FBB] =	sst s0  }
0x18: {  	s0 =	sld [smem:$0x3F9E];
	_ =	swait.ge [sflag:s4], $0x0  }
0x19: {  	s7 =	sld [smem:$0x3F9F]  }
0x1a: {  	s8 =	sadd.s32 $0xFFFFE003, lr  }
0x1b: {  	s9 =	sadd.s32 $0xFFFFFEF7, lr;
	s5 =	simm.s32 $0xFFFFFFFF;
	p2 =	slt.u32 s8, $0xFFFFF086  }
0x1c: {  	p1 =	slt.u32 s9, $0xF7A;
	s5 =	simm.s32 @!p2 $0x0  }
0x1d: {  	s5 =	simm.s32 @p1 $0x1;
	p0 =	seq.s32 s7, s2  }
0x1e: {  	s7 =	smul.u32 @!p0 $0xF7A, s2;
	p2 =	seq.s32 @!p0 s5, $0x0  }
0x1f: {  	s9 =	smul.u32 $0xF7A, s1;
	s8 =	simm.s32 @!p0 $0x1BF5;
	p2 =	por !p2, p0  }
0x20: {  	[sflag:s8] =	ssyncset.s32 @!p0 $0xFFFFF086;
	s6 =	sadd.s32 @!p0 s3, s7;
	s7 =	simm.s32 @!p0 $0x108  }
0x21: {  	s3 =	sadd.s32 s3, s9;
	s6 =	sadd.s32 @!p0 $0x88, s6;
	s7 =	simm.s32 @p2 $0x1082  }
0x22: {  	[simem:s7], [sflag:s8] =	dma.local @!p0 [hbm:s6], $0xF7A  }
0x23: {  	s9 =	sor.u32 $0xD0000000, s2;
	s6 =	simm.s32 $0x108;
	_ =	swait.ge @!p0 [sflag:s8], $0x0  }
0x24: {  	s3 =	sadd.s32 $0x88, s3;
	s6 =	simm.s32 @!p1 $0x1082;
	[sflag:s4] =	ssyncset.s32 $0xFFFFF086  }
0x25: {  	[simem:s6], [sflag:s4] =	dma.local [hbm:s3], $0xF7A  }
0x26: {  	[smem:$0x3F9F] =	sst s1;
	(tag) =	ssettag s2;
	_ =	strace s9  }
0x27: {  	s1 =	sld [smem:$0x3FAF]  }
0x28: {  	s2 =	sld [smem:$0x3FB0]  }
0x29: {  	s4 =	sld [smem:$0x3FB2]  }
0x2a: {  	p0 =	seq.s32 s5, $0x0;
	s5 =	sld [smem:$0x3FB3]  }
0x2b: {  	s6 =	sld [smem:$0x3FB4]  }
0x2c: {  	s7 =	sld [smem:$0x3FB5]  }
0x2d: {  	s3 =	simm.s32 $0x108;
	s8 =	sld [smem:$0x3FB6]  }
0x2e: {  	s3 =	simm.s32 @!p0 $0x1082;
	s9 =	sld [smem:$0x3FB7]  }
0x2f: {  	lr =	sadd.s32 s0, s3;
	s0 =	sld [smem:$0x3FAE]  }
0x30: {  	s3 =	sld [smem:$0x3FB1]  }
0x31: {  	[smem:$0x3FBA] =	sst s10  }
0x32: {  	s10 =	sld [smem:$0x3FB8];
	_ =	sdelay $0x3  }
0x33: {  	p0 =	seq.s32 s10, $0x1;
	s10 =	sld [smem:$0x3FBA];
	_ =	sdelay $0x3  }
0x34: {  	[smem:$0x3FBA] =	sst s10  }
0x35: {  	s10 =	sld [smem:$0x3FB9];
	_ =	sdelay $0x3  }
0x36: {  	p1 =	seq.s32 s10, $0x1;
	s10 =	sld [smem:$0x3FBA];
	_ =	sdelay $0x3  }
0x37: {  	[smem:$0x3FBA] =	sst s10  }
0x38: {  	s10 =	sld [smem:$0x3FBB]  }
0x39: {  	_ = 	snop;
	(pc) =	sbr.ind lr, $3  }
0x3a: {  	_ = 	snop  }
0x3b: {  	_ = 	snop  }
0x3c: {  	p2 =	seq.s32 s10, $0x1;
	s10 =	sld [smem:$0x3FBA]  }
0x3d: {  	_ =	shalt  }
0x3e: {  	_ =	shalt  }
0x3f: {  	_ =	shalt  }
0x40: {  	_ =	shalt  }
0x41: {  	_ =	shalt  }
0x42: {  	_ =	shalt  }
0x43: {  	_ =	shalt  }
0x44: {  	_ =	shalt  }
0x45: {  	_ =	shalt  }
0x46: {  	_ =	shalt  }
0x47: {  	_ =	shalt  }
0x48: {  	_ =	shalt  }
0x49: {  	_ =	shalt  }
0x4a: {  	_ =	shalt  }
0x4b: {  	_ =	shalt  }
0x4c: {  	_ =	shalt  }
0x4d: {  	_ =	shalt  }
0x4e: {  	_ =	shalt  }
0x4f: {  	_ =	shalt  }
0x50: {  	_ =	shalt  }
0x51: {  	_ =	shalt  }
0x52: {  	_ =	shalt  }
0x53: {  	_ =	shalt  }
0x54: {  	_ =	shalt  }
0x55: {  	_ =	shalt  }
0x56: {  	_ =	shalt  }
0x57: {  	_ =	shalt  }
0x58: {  	_ =	shalt  }
0x59: {  	_ =	shalt  }
0x5a: {  	_ =	shalt  }
0x5b: {  	_ =	shalt  }
0x5c: {  	_ =	shalt  }
0x5d: {  	_ =	shalt  }
0x5e: {  	_ =	shalt  }
0x5f: {  	_ =	shalt  }
0x60: {  	_ =	shalt  }
0x61: {  	_ =	shalt  }
0x62: {  	_ =	shalt  }
0x63: {  	_ =	shalt  }
0x64: {  	_ =	shalt  }
0x65: {  	_ =	shalt  }
0x66: {  	_ =	shalt  }
0x67: {  	_ =	shalt  }
0x68: {  	_ =	shalt  }
0x69: {  	_ =	shalt  }
0x6a: {  	_ =	shalt  }
0x6b: {  	_ =	shalt  }
0x6c: {  	_ =	shalt  }
0x6d: {  	_ =	shalt  }
0x6e: {  	_ =	shalt  }
0x6f: {  	_ =	shalt  }
0x70: {  	_ =	shalt  }
0x71: {  	_ =	shalt  }
0x72: {  	_ =	shalt  }
0x73: {  	_ =	shalt  }
0x74: {  	_ =	shalt  }
0x75: {  	_ =	shalt  }
0x76: {  	_ =	shalt  }
0x77: {  	_ =	shalt  }
0x78: {  	_ =	shalt  }
0x79: {  	_ =	shalt  }
0x7a: {  	_ =	shalt  }
0x7b: {  	_ =	shalt  }
0x7c: {  	_ =	shalt  }
0x7d: {  	_ =	shalt  }
0x7e: {  	_ =	shalt  }
0x7f: {  	_ =	shalt  }
0x80: {  	_ =	shalt  }
0x81: {  	_ =	shalt  }
0x82: {  	_ =	shalt  }
0x83: {  	_ =	shalt  }
0x84: {  	_ =	shalt  }
0x85: {  	_ =	shalt  }
0x86: {  	_ =	shalt  }
0x87: {  	_ =	shalt  }
.Lfunc_end0:
.L_simem_size_0:
called_computation_lowered:
.L_overlay_start_0:
0x88: {  	s2 =	sld [smem:$0x3FD9]  }
0x89: {  	s3 =	sld [smem:$0x3FFE];
	_ =	sdelay $0x1  }
0x8a: {  	s1 =	srdreg.scid  }
0x8b: {  	s0 =	sand.u32 $0x1, s1  }
0x8c: {  	s14 =	sshll.u32 s0, $0xA;
	s2 =	sadd.s32 s3, s2  }
0x8d: {  	s2 =	sadd.s32 s2, s14  }
0x8e: {  	[smem:$0x3FC6] =	sst s2  }
0x8f: {  	_ = 	snop  }
0x90: {  	s2 =	sld [smem:$0x3FD0];
	_ =	sdelay $0x2  }
0x91: {  	s15 =	simm.s32 $0xA;
	s4 =	simm.s32 $0x10  }
0x92: {  	[smem:s4], [sflag:s15] =	dma.local [hbm:s2], $0x1  }
0x93: {  	_ =	swait.eq [sflag:s15], $0x1  }
0x94: {  	[sflag:s15] =	ssyncset.done $0x0  }
0x95: {  	[sflag:s15] =	ssyncadd.s32 $0xFFFFFFFF  }
0x96: {  	s16 =	sld [smem:$0x10];
	(tm) =	ssettm $0x1  }
0x97: {  	s17 =	sld [smem:$0x3FFB];
	_ =	sdelay $0x3  }
0x98: {  	_ =	strace s17  }
0x99: {  	s3 =	sld [smem:$0x3FFC];
	_ =	sdelay $0x3  }
0x9a: {  	_ =	strace s3  }
0x9b: {  	s3 =	sld [smem:$0x3FFD];
	_ =	sdelay $0x3  }
0x9c: {  	_ =	strace s3  }
0x9d: {  	_ =	strace $0x8FFFFFFF  }
0x9e: {  	s18 =	sld [smem:$0x3FDB];
	_ =	sdelay $0x1  }
0x9f: {  	s19 =	simm.s32 $_scs_section_size  }
0xa0: {  	s5 =	simm.s32 $_size__tile_overlayer_lowered;
	s6 =	simm.s32 $_tile_overlayer_lowered  }
0xa1: {  	s22 =	simm.s32 $0x1BFF;
	s21 =	sshll.u32 s6, $0x1;
	s3 =	sadd.s32 s19, s18  }
0xa2: {  	s7 =	simm.s32 $0x0;
	s20 =	sshll.u32 s5, $0x1;
	s5 =	sadd.s32 s21, s3  }
0xa3: {  	[timem:s7], [sflag:s22] =	dma.local [hbm:s5], s20  }
0xa4: {  	_ =	swait.ge [sflag:s22], s20  }
0xa5: {  	s4 =	ssub.s32 $0x0, s20;
	[sflag:s22] =	ssyncset.done $0x0  }
0xa6: {  	[sflag:s22] =	ssyncadd.s32 s4;
	_ =	sdelay $0x1  }
0xa7: {  	s23 =	simm.s32 $0x1B8B  }
0xa8: {  	_ =	swait.ge [sflag:s23], $0x1  }
0xa9: {  	[sflag:s23] =	ssyncset.done $0x0  }
0xaa: {  	s25 =	simm.s32 $0x1B8E;
	s24 =	sld [smem:$0x3FFE];
	[sflag:s23] =	ssyncadd.s32 $0xFFFFFFFF  }
0xab: {  	s26 =	simm.s32 $execute0_lowered;
	[smem:$0x3FD2] =	sst s25  }
0xac: {  	s5 =	sshll.u32 s26, $0x1;
	_ =	strace $0x80000046;
	[dreg:$0x1] =	wrdreg $0xFFFFFFFF  }
0xad: {  	s28 =	simm.s32 $_size_execute0_lowered;
	s3 =	sadd.s32 s3, s5;
	[dreg:$0x0] =	wrdreg $0x0  }
0xae: {  	s5 =	sshll.u32 s28, $0x1;
	[dreg:$0x2] =	wrdreg s3  }
0xaf: {  	[dreg:$0x3] =	wrdreg s5  }
0xb0: {  	[dreg:$0x4] =	wrdreg $0xC0  }
0xb1: {  	_ =	task [dreg:s7], $0x5FFFF  }
0xb2: {  	[dreg:$0x1] =	wrdreg $0xFFFFFFFF  }
0xb3: {  	[dreg:$0x0] =	wrdreg $0x60  }
0xb4: {  	[dreg:$0x2] =	wrdreg s24  }
0xb5: {  	[dreg:$0x3] =	wrdreg s16  }
0xb6: {  	[dreg:$0x4] =	wrdreg $0x9  }
0xb7: {  	_ =	task.clear_ibuf [dreg:s7], $0x5FFFF;
	_ =	strace $0x90000046  }
0xb8: {  	s29 =	simm.s32 $0x9;
	_ =	strace $0x80000048  }
0xb9: {  	_ =	swait.ge [sflag:s29], $0x1  }
0xba: {  	[sflag:s29] =	ssyncadd.s32 $0xFFFFFFFF  }
0xbb: {  	_ =	strace $0x90000048  }
0xbc: {  	_ =	sfence  }
0xbd: {  	s30 =	sld [smem:$0x0];
	_ =	sdelay $0x2  }
0xbe: {  	s31 =	sshll.u32 s1, $0xD;
	s1 =	sshrl.u32 s1, $0x2  }
0xbf: {  	s3 =	sand.u32 $0x4000, s31;
	s1 =	sadd.s32 s1, s30  }
0xc0: {  	s0 =	sor.u32 s3, s0;
	s1 =	sshll.u32 s1, $0x11  }
0xc1: {  	s0 =	sor.u32 s1, s0  }
0xc2: {  	s0 =	sadd.s32 $0x8F2B, s0  }
0xc3: {  	[sflag:s0] =	ssyncadd.remote.s32 $0x1  }
0xc4: {  	_ =	sfence.sel $0xFFFF  }
0xc5: {  	[dreg:$0x0] =	wrdreg $0xFFFFFFFF;
	(pc) =	sbr.abs _section_cstart, $3  }
0xc6: {  	[dreg:$0x1] =	wrdreg $0xFFFFFFFF  }
0xc7: {  	_ =	task.clear_ibuf [dreg:s7], $0x2FFFF;
	_ =	strace $0x9FFFFFFF  }
0xc8: {  	(tm) =	ssettm $0x7FFFFFFF  }
0xc9: {  	_ =	shalt  }
tec
execute0_lowered:
.L_overlay_start_1:
0x0: {  	(tag) =	ssettag $0x1  }
0x1: {  	s1 =	srdreg.scid  }
0x2: {  	s0 =	stileid.u32;
	s14 =	sand.u32 $0x1, s1  }
0x3: {  	s2 =	rddreg [dreg:$0x0];
	s29 =	sshll.u32 s0, $0xA;
	s3 =	sshll.u32 s14, $0x9  }
0x4: {  	s15 =	rddreg [dreg:$0x1];
	s16 =	sor.u32 s3, s29  }
0x5: {  	s1 =	rddreg [dreg:$0x2];
	s3 =	simm.s32 $0x0;
	s4 =	sshrl.u32 s16, $0x3  }
0x6: {  	[smem:$0x7FF] =	sst s3;
	s4 =	sadd.s32 s4, s2  }
0x7: {  	_ =	strace $0x80000047;
	s5 =	sadd.s32 $0x20000, s4;
	s4 =	simm.s32 $0x2  }
0x8: {  	[tilespmem:s3], [sflag:$0x2] =	stream.linear.gather [hbm4b:s5+s3], $0x200, $0x38;
	[tilespmem:$0x10200] =	vst v63  }
0x9: {  	_ =	swait.ge [sflag:s4], $0x200  }
0xa: {  	[sflag:s4] =	ssyncset.done $0x0  }
0xb: {  	s6 =	simm.s32 $0x80;
	s7 =	simm.s32 $0x200;
	[sflag:s4] =	ssyncadd.s32 $0xFFFFFE00  }
0xc: {  	[tilespmem:s7], [sflag:$0x1] =	stream.indirect.gather [hbm4b:s2+s6], $0x80, s3, s6, $0xb8;
	[tilespmem:$0x10200] =	vst v63  }
0xd: {  	s8 =	simm.s32 $0x4200  }
0xe: {  	[tilespmem:s8], [sflag:$0x1] =	stream.indirect.gather [hbm4b:s2+s6], $0x80, s6, s6, $0xb8;
	[tilespmem:$0x10200] =	vst v63  }
0xf: {  	s9 =	simm.s32 $0x100;
	s10 =	simm.s32 $0x8200  }
0x10: {  	[tilespmem:s10], [sflag:$0x1] =	stream.indirect.gather [hbm4b:s2+s6], $0x80, s9, s6, $0xb8;
	[tilespmem:$0x10200] =	vst v63  }
0x11: {  	s11 =	simm.s32 $0x180;
	s12 =	simm.s32 $0xC200;
	s13 =	simm.s32 $0x1  }
0x12: {  	[tilespmem:s12], [sflag:$0x1] =	stream.indirect.gather [hbm4b:s2+s6], $0x80, s11, s6, $0xb8;
	[tilespmem:$0x10200] =	vst v63  }
0x13: {  	_ =	swait.ge [sflag:s13], $0x4000  }
0x14: {  	[sflag:s13] =	ssyncset.done $0x0  }
0x15: {  	[sflag:s13] =	ssyncadd.s32 $0xFFFFC000  }
0x16: {  	_ =	swait.ge [sflag:s13], $0x4000  }
0x17: {  	[sflag:s13] =	ssyncset.done $0x0  }
0x18: {  	s14 =	ssub.s32 $0x2, s14;
	[sflag:s13] =	ssyncadd.s32 $0xFFFFC000  }
0x19: {  	s17 =	sshrl.u32 s14, $0x1;
	_ =	swait.ge [sflag:s13], $0x4000  }
0x1a: {  	s17 =	ssub.s32 s14, s17;
	[sflag:s13] =	ssyncset.done $0x0  }
0x1b: {  	s31 =	smax.u32 s17, $0x1;
	[sflag:s13] =	ssyncadd.s32 $0xFFFFC000  }
0x1c: {  	p0 =	sne.s32 s31, $0x1;
	_ =	swait.ge [sflag:s13], $0x4000  }
.Ltmp0:
0x1d: {  	s30 =	sshll.u32 s16, $0x4;
	[sflag:s13] =	ssyncset.done $0x0;
	(pc) =	sbr.rel @!p0 .LBB2_2-.Ltmp0, $4  }
0x1e: {  	s14 =	sadd.s32 s15, s30;
	[sflag:s13] =	ssyncadd.s32 $0xFFFFC000  }
0x1f: {  	[hbm4b:s14+s3] =	stream.linear.scatter [tilespmem:s7], [sflag:$0x2], $0x10000, $0x38;
	[tilespmem:$0x10200] =	vst v63  }
0x20: {  	_ =	swait.ge [sflag:s4], $0x10000  }
0x21: {  	s15 =	sadd.s32 $0xFFFFFFFF, s31;
	[sflag:s4] =	ssyncset.done $0x0  }
.LBB2_1:
0x22: {  	p0 =	sne.s32 s15, $0x1;
	s15 =	sadd.s32 $0xFFFFFFFF, s15;
	[sflag:s4] =	ssyncadd.s32 $0xFFFF0000  }
0x23: {  	[tilespmem:s3], [sflag:$0x2] =	stream.linear.gather [hbm4b:s5+s3], $0x200, $0x38;
	[tilespmem:$0x10200] =	vst v63  }
0x24: {  	_ =	swait.ge [sflag:s4], $0x200  }
0x25: {  	[sflag:s4] =	ssyncset.done $0x0  }
0x26: {  	[sflag:s4] =	ssyncadd.s32 $0xFFFFFE00  }
0x27: {  	[tilespmem:s7], [sflag:$0x1] =	stream.indirect.gather [hbm4b:s2+s6], $0x80, s3, s6, $0xb8;
	[tilespmem:$0x10200] =	vst v63  }
0x28: {  	_ = 	snop  }
0x29: {  	[tilespmem:s8], [sflag:$0x1] =	stream.indirect.gather [hbm4b:s2+s6], $0x80, s6, s6, $0xb8;
	[tilespmem:$0x10200] =	vst v63  }
0x2a: {  	_ = 	snop  }
0x2b: {  	[tilespmem:s10], [sflag:$0x1] =	stream.indirect.gather [hbm4b:s2+s6], $0x80, s9, s6, $0xb8;
	[tilespmem:$0x10200] =	vst v63  }
0x2c: {  	_ = 	snop  }
0x2d: {  	[tilespmem:s12], [sflag:$0x1] =	stream.indirect.gather [hbm4b:s2+s6], $0x80, s11, s6, $0xb8;
	[tilespmem:$0x10200] =	vst v63  }
0x2e: {  	_ =	swait.ge [sflag:s13], $0x4000  }
0x2f: {  	[sflag:s13] =	ssyncset.done $0x0  }
0x30: {  	[sflag:s13] =	ssyncadd.s32 $0xFFFFC000  }
0x31: {  	_ =	swait.ge [sflag:s13], $0x4000  }
0x32: {  	[sflag:s13] =	ssyncset.done $0x0  }
0x33: {  	[sflag:s13] =	ssyncadd.s32 $0xFFFFC000  }
0x34: {  	_ =	swait.ge [sflag:s13], $0x4000  }
0x35: {  	[sflag:s13] =	ssyncset.done $0x0  }
0x36: {  	[sflag:s13] =	ssyncadd.s32 $0xFFFFC000  }
0x37: {  	_ =	swait.ge [sflag:s13], $0x4000  }
.Ltmp1:
0x38: {  	[sflag:s13] =	ssyncset.done $0x0;
	(pc) =	sbr.rel @p0 .LBB2_1-.Ltmp1, $4  }
0x39: {  	[sflag:s13] =	ssyncadd.s32 $0xFFFFC000  }
0x3a: {  	[hbm4b:s14+s3] =	stream.linear.scatter [tilespmem:s7], [sflag:$0x2], $0x10000, $0x38;
	[tilespmem:$0x10200] =	vst v63  }
0x3b: {  	_ =	swait.ge [sflag:s4], $0x10000  }
0x3c: {  	[sflag:s4] =	ssyncset.done $0x0  }
.LBB2_2:
0x3d: {  	[sflag:s4] =	ssyncadd.s32 $0xFFFF0000  }
0x3e: {  	_ =	sfence.sel $0x180000  }
0x3f: {  	[bflag:$0x0] =	sbarrier.arrive $0xFFFF  }
0x40: {  	p0 =	sne.s32 s0, $0x0;
	_ =	strace $0x90000047  }
0x41: {  	s0 =	sadd.s32 @!p0 $0x100000, s1;
	[bflag:$0x2] =	sbarrier.arrive $0xFFFF  }
0x42: {  	[sflag:s0] =	ssyncadd.tile.s32 @!p0 $0x1;
	_ =	shalt  }
.Lfunc_end2:
_tile_overlayer_lowered:
.L_overlay_start_2:
0x43: {  	(tag) =	ssettag $0x2  }
0x44: {  	s0 =	rddreg [dreg:$0x0];
	s2 =	stileid.u32  }
0x45: {  	s1 =	rddreg [dreg:$0x1];
	p0 =	sne.s32 s2, $0x0  }
0x46: {  	s3 =	rddreg [dreg:$0x2];
	[bflag:$0x3] =	sbarrier.arrive $0xFFFF;
	s2 =	simm.s32 @!p0 $0x1C02  }
0x47: {  	[timem:s3], [sflag:s2] =	dma.local @!p0 [hbm:s0], s1  }
0x48: {  	s0 =	simm.s32 @!p0 $0x2  }
0x49: {  	_ =	swait.ge @!p0 [sflag:s0], s1  }
0x4a: {  	s1 =	ssub.s32 @!p0 $0x0, s1;
	[sflag:s0] =	ssyncset.done @!p0 $0x0  }
0x4b: {  	[sflag:s0] =	ssyncadd.s32 @!p0 s1  }
0x4c: {  	[bflag:$0x3] =	sbarrier.arrive $0xFFFF  }
0x4d: {  	_ =	shalt  }

</sc_bundles>
